<compile_context>
chip_gen: v7x
topology: tpu7x:2x2x1
jax: 0.10.2.dev20260603
libtpu: 0.0.44.dev20260713+nightly
codegen_flags: <defaults>
</compile_context>

<pallas_src>
import functools

import jax
import jax.numpy as jnp
from jax import lax
from jax.experimental import pallas as pl
from jax.experimental.pallas import tpu as pltpu
from jax.experimental.pallas import tpu_sc as plsc

VOCAB = 1000000
DIM = 64
NUM_CLASSES = 2
B = 4096
L = 200

NC = 2
NS = 16
NW = NC * NS
BPW = B // NW
LANES = 16
NV = DIM // LANES

CHUNKS = ((0, 128), (128, 72))

_mesh = plsc.VectorSubcoreMesh(core_axis_name="c", subcore_axis_name="s")


@functools.partial(
    pl.kernel,
    mesh=_mesh,
    compiler_params=pltpu.CompilerParams(use_tc_tiling_on_sc=False),
    out_type=jax.ShapeDtypeStruct((B, DIM), jnp.float32),
    scratch_types=[
        pltpu.VMEM((BPW, L), jnp.int32),
        pltpu.VMEM((L, DIM), jnp.float32),
        pltpu.VMEM((BPW, DIM), jnp.float32),
        pltpu.SemaphoreType.DMA,
    ],
)
def _pool_sums(x_hbm, table_hbm, out_hbm, idx_v, rows_v, acc_v, sem):
    wid = lax.axis_index("s") * NC + lax.axis_index("c")
    base = wid * BPW
    pltpu.sync_copy(x_hbm.at[pl.ds(base, BPW)], idx_v)

    def row_body(r, _):
        cps = []
        for off, n in CHUNKS:
            cps.append(
                pltpu.async_copy(
                    table_hbm.at[idx_v.at[r, pl.ds(off, n)]],
                    rows_v.at[pl.ds(off, n)],
                    sem,
                )
            )
        for cp in cps:
            cp.wait()

        def accum(j, accs):
            return tuple(
                accs[k] + rows_v[j, pl.ds(k * LANES, LANES)] for k in range(NV)
            )

        zero = jnp.zeros((LANES,), jnp.float32)
        accs = lax.fori_loop(0, L, accum, (zero,) * NV, unroll=4)
        for k in range(NV):
            acc_v[r, pl.ds(k * LANES, LANES)] = accs[k]
        return 0

    lax.fori_loop(0, BPW, row_body, 0)
    pltpu.sync_copy(acc_v, out_hbm.at[pl.ds(base, BPW)])


def _classifier_body(s_ref, w_ref, b_ref, o_ref):
    p = s_ref[...] * (1.0 / L)
    logits = lax.dot_general(
        p, w_ref[...], (((1,), (1,)), ((), ())),
        preferred_element_type=jnp.float32,
    ) + b_ref[...]
    m = jnp.max(logits, axis=-1, keepdims=True)
    e = jnp.exp(logits - m)
    o_ref[...] = e / jnp.sum(e, axis=-1, keepdims=True)


def kernel(x, table, W_w, W_b):
    sums = _pool_sums(x, table)
    return pl.pallas_call(
        _classifier_body,
        out_shape=jax.ShapeDtypeStruct((B, NUM_CLASSES), jnp.float32),
    )(sums, W_w, W_b.reshape(1, NUM_CLASSES))

# --- scband reference (transcript-rebuilt; emitter-appended) ---
"""Pipeline reference for scband-fast-text-70428873719838 (READ-ONLY COPY).

The authoritative reference and input builder live on the scoring server;
editing this copy changes nothing except your own understanding.
"""

import jax, jax.numpy as jnp
import numpy as np

VOCAB = 1000000
DIM = 64
NUM_CLASSES = 2
B = 4096
L = 200


def setup_inputs(seed: int = 0) -> dict:
    key = jax.random.key(seed)
    k1, k2, k3 = jax.random.split(key, 3)
    x = jax.random.randint(k1, (B, L), 0, VOCAB, dtype=jnp.int32)
    table = jax.random.normal(k2, (VOCAB, DIM), dtype=jnp.float32) * 0.02
    table = table.at[0].set(0.0)  # padding_idx=0 row is zero
    W_w = jax.random.normal(k3, (NUM_CLASSES, DIM), dtype=jnp.float32) * 0.02
    W_b = jnp.zeros((NUM_CLASSES,), dtype=jnp.float32)
    return {"x": x, "table": table, "W_w": W_w, "W_b": W_b}


def reference(x, table, W_w, W_b):
    # Embedding lookup (gather) with padding_idx=0 semantics
    emb = jnp.take(table, x, axis=0)  # [B, L, DIM]
    pad_mask = (x != 0).astype(emb.dtype)[..., None]
    emb = emb * pad_mask  # zero-out padding positions (also blocks grads to row 0)
    # FastText: average embedding over the sequence
    pooled = jnp.mean(emb, axis=1)  # [B, DIM]
    # Linear classifier
    logits = pooled @ W_w.T + W_b  # [B, NUM_CLASSES]
    # Predicted class probabilities
    return jax.nn.softmax(logits, axis=-1)

if __name__ == "__main__":
    import jax
    _d = setup_inputs()
    print(jax.jit(kernel)(*tuple(_d.values())))

</pallas_src>

<mosaic_0001>
#map = affine_map<(d0, d1) -> (0, 0)>
module attributes {stable_mosaic.version = 14 : i64} {
  func.func @_pool_sums(%arg0: i32, %arg1: i32, %arg2: memref<4096x200xi32, #tpu.memory_space<hbm>>, %arg3: memref<1000000x64xf32, #tpu.memory_space<hbm>>, %arg4: memref<4096x64xf32, #tpu.memory_space<hbm>>, %arg5: memref<128x200xi32, #tpu.memory_space<vmem>>, %arg6: memref<200x64xf32, #tpu.memory_space<vmem>>, %arg7: memref<128x64xf32, #tpu.memory_space<vmem>>, %arg8: memref<!tpu.dma_semaphore, #tpu.memory_space<semaphore_mem>>) attributes {dimension_semantics = [#tpu.dimension_semantics<core_parallel>, #tpu.dimension_semantics<subcore_parallel>], iteration_bounds = array<i64: 2, 16>, scalar_prefetch = 0 : i64, scratch_operands = 4 : i64, tpu.core_type = #tpu.core_type<sc_vector_subcore>, window_params = [{transform_indices = #map}, {transform_indices = #map}, {transform_indices = #map}]} {
    %mul3A = arith.constant 2 : i32
    %mul3A_0 = arith.muli %arg1, %mul3A : i32
    %add3A = arith.addi %mul3A_0, %arg0 : i32
    %mul3A_1 = arith.constant 128 : i32
    %mul3A_2 = arith.muli %add3A, %mul3A_1 : i32
    "tpu.region"() ({
      %run_scoped3A = tpu.sem_alloc : memref<!tpu.dma_semaphore, #tpu.memory_space<semaphore_mem>>
      %dma_start3A = arith.constant 0 : i32
      %dma_start3A_9 = tpu.memref_slice %arg2[%mul3A_2, %dma_start3A] : memref<4096x200xi32, #tpu.memory_space<hbm>> -> memref<128x200xi32, #tpu.memory_space<hbm>>
      %dma_start3A_10 = arith.constant 0 : i32
      %dma_start3A_11 = tpu.memref_slice %arg2[%mul3A_2, %dma_start3A_10] : memref<4096x200xi32, #tpu.memory_space<hbm>> -> memref<128x200xi32, #tpu.memory_space<hbm>>
      tpu.enqueue_dma source(%dma_start3A_11 : memref<128x200xi32, #tpu.memory_space<hbm>>) target(%arg5 : memref<128x200xi32, #tpu.memory_space<vmem>>) target_semaphore(%run_scoped3A : memref<!tpu.dma_semaphore, #tpu.memory_space<semaphore_mem>>)
      %dma_wait3A = arith.constant 0 : i32
      %dma_wait3A_12 = tpu.memref_slice %arg2[%mul3A_2, %dma_wait3A] : memref<4096x200xi32, #tpu.memory_space<hbm>> -> memref<128x200xi32, #tpu.memory_space<hbm>>
      %dma_wait3A_13 = arith.constant 0 : i32
      %dma_wait3A_14 = tpu.memref_slice %arg2[%mul3A_2, %dma_wait3A_13] : memref<4096x200xi32, #tpu.memory_space<hbm>> -> memref<128x200xi32, #tpu.memory_space<hbm>>
      tpu.wait_dma2 semaphore(%run_scoped3A : memref<!tpu.dma_semaphore, #tpu.memory_space<semaphore_mem>>) src(%dma_wait3A_14 : memref<128x200xi32, #tpu.memory_space<hbm>>) dst(%arg5 : memref<128x200xi32, #tpu.memory_space<vmem>>)
      tpu.yield
    }) : () -> ()
    %scan3A = arith.constant 0 : i32
    %scan3A_3 = arith.constant 0 : i32
    %scan3A_4 = arith.constant 128 : i32
    %scan3A_5 = arith.addi %scan3A_3, %scan3A_4 : i32
    %scan3A_6 = arith.constant 1 : i32
    %scan3A_7 = scf.for %scan3A_9 = %scan3A_3 to %scan3A_5 step %scan3A_6 iter_args(%scan3A_10 = %scan3A) -> (i32)  : i32 {
      %dma_start3A = arith.constant 0 : i32
      %dma_start3A_11 = arith.constant 0 : i32
      %dma_start3A_12 = tpu.memref_slice %arg6[%dma_start3A, %dma_start3A_11] : memref<200x64xf32, #tpu.memory_space<vmem>> -> memref<128x64xf32, #tpu.memory_space<vmem>>
      %dma_start3A_13 = arith.constant 0 : i32
      %dma_start3A_14 = tpu.memref_slice %arg5[%scan3A_9, %dma_start3A_13] : memref<128x200xi32, #tpu.memory_space<vmem>> -> memref<1x128xi32, #tpu.memory_space<vmem>>
      %dma_start3A_15 = tpu.memref_squeeze %dma_start3A_14 : memref<1x128xi32, #tpu.memory_space<vmem>> -> memref<128xi32, #tpu.memory_space<vmem>>
      %dma_start3A_16 = arith.constant 0 : i32
      %dma_start3A_17 = arith.constant 0 : i32
      %dma_start3A_18 = tpu.memref_slice %arg3[%dma_start3A_16, %dma_start3A_17] : memref<1000000x64xf32, #tpu.memory_space<hbm>> -> memref<1000000x64xf32, #tpu.memory_space<hbm>>
      tpu.enqueue_indirect_dma source(%dma_start3A_18 : memref<1000000x64xf32, #tpu.memory_space<hbm>>) target(%dma_start3A_12 : memref<128x64xf32, #tpu.memory_space<vmem>>) offsets(%dma_start3A_15 : memref<128xi32, #tpu.memory_space<vmem>>) semaphore(%arg8 : memref<!tpu.dma_semaphore, #tpu.memory_space<semaphore_mem>>)
      %dma_start3A_19 = arith.constant 128 : i32
      %dma_start3A_20 = arith.constant 0 : i32
      %dma_start3A_21 = tpu.memref_slice %arg6[%dma_start3A_19, %dma_start3A_20] : memref<200x64xf32, #tpu.memory_space<vmem>> -> memref<72x64xf32, #tpu.memory_space<vmem>>
      %dma_start3A_22 = arith.constant 128 : i32
      %dma_start3A_23 = tpu.memref_slice %arg5[%scan3A_9, %dma_start3A_22] : memref<128x200xi32, #tpu.memory_space<vmem>> -> memref<1x72xi32, #tpu.memory_space<vmem>>
      %dma_start3A_24 = tpu.memref_squeeze %dma_start3A_23 : memref<1x72xi32, #tpu.memory_space<vmem>> -> memref<72xi32, #tpu.memory_space<vmem>>
      %dma_start3A_25 = arith.constant 0 : i32
      %dma_start3A_26 = arith.constant 0 : i32
      %dma_start3A_27 = tpu.memref_slice %arg3[%dma_start3A_25, %dma_start3A_26] : memref<1000000x64xf32, #tpu.memory_space<hbm>> -> memref<1000000x64xf32, #tpu.memory_space<hbm>>
      tpu.enqueue_indirect_dma source(%dma_start3A_27 : memref<1000000x64xf32, #tpu.memory_space<hbm>>) target(%dma_start3A_21 : memref<72x64xf32, #tpu.memory_space<vmem>>) offsets(%dma_start3A_24 : memref<72xi32, #tpu.memory_space<vmem>>) semaphore(%arg8 : memref<!tpu.dma_semaphore, #tpu.memory_space<semaphore_mem>>)
      %dma_wait3A = arith.constant 0 : i32
      %dma_wait3A_28 = arith.constant 0 : i32
      %dma_wait3A_29 = tpu.memref_slice %arg6[%dma_wait3A, %dma_wait3A_28] : memref<200x64xf32, #tpu.memory_space<vmem>> -> memref<128x64xf32, #tpu.memory_space<vmem>>
      %dma_wait3A_30 = arith.constant 0 : i32
      %dma_wait3A_31 = tpu.memref_slice %arg5[%scan3A_9, %dma_wait3A_30] : memref<128x200xi32, #tpu.memory_space<vmem>> -> memref<1x128xi32, #tpu.memory_space<vmem>>
      %dma_wait3A_32 = tpu.memref_squeeze %dma_wait3A_31 : memref<1x128xi32, #tpu.memory_space<vmem>> -> memref<128xi32, #tpu.memory_space<vmem>>
      %dma_wait3A_33 = arith.constant 0 : i32
      %dma_wait3A_34 = arith.constant 0 : i32
      %dma_wait3A_35 = tpu.memref_slice %arg3[%dma_wait3A_33, %dma_wait3A_34] : memref<1000000x64xf32, #tpu.memory_space<hbm>> -> memref<1000000x64xf32, #tpu.memory_space<hbm>>
      tpu.wait_indirect_dma semaphore(%arg8 : memref<!tpu.dma_semaphore, #tpu.memory_space<semaphore_mem>>) src(%dma_wait3A_35 : memref<1000000x64xf32, #tpu.memory_space<hbm>>) dst(%dma_wait3A_29 : memref<128x64xf32, #tpu.memory_space<vmem>>)
      %dma_wait3A_36 = arith.constant 128 : i32
      %dma_wait3A_37 = arith.constant 0 : i32
      %dma_wait3A_38 = tpu.memref_slice %arg6[%dma_wait3A_36, %dma_wait3A_37] : memref<200x64xf32, #tpu.memory_space<vmem>> -> memref<72x64xf32, #tpu.memory_space<vmem>>
      %dma_wait3A_39 = arith.constant 128 : i32
      %dma_wait3A_40 = tpu.memref_slice %arg5[%scan3A_9, %dma_wait3A_39] : memref<128x200xi32, #tpu.memory_space<vmem>> -> memref<1x72xi32, #tpu.memory_space<vmem>>
      %dma_wait3A_41 = tpu.memref_squeeze %dma_wait3A_40 : memref<1x72xi32, #tpu.memory_space<vmem>> -> memref<72xi32, #tpu.memory_space<vmem>>
      %dma_wait3A_42 = arith.constant 0 : i32
      %dma_wait3A_43 = arith.constant 0 : i32
      %dma_wait3A_44 = tpu.memref_slice %arg3[%dma_wait3A_42, %dma_wait3A_43] : memref<1000000x64xf32, #tpu.memory_space<hbm>> -> memref<1000000x64xf32, #tpu.memory_space<hbm>>
      tpu.wait_indirect_dma semaphore(%arg8 : memref<!tpu.dma_semaphore, #tpu.memory_space<semaphore_mem>>) src(%dma_wait3A_44 : memref<1000000x64xf32, #tpu.memory_space<hbm>>) dst(%dma_wait3A_38 : memref<72x64xf32, #tpu.memory_space<vmem>>)
      %broadcast_in_dim3A = arith.constant 0.000000e+00 : f32
      %broadcast_in_dim3A_45 = vector.broadcast %broadcast_in_dim3A : f32 to vector<16xf32>
      %scan3A_46 = arith.constant 0 : i32
      %scan3A_47 = arith.constant 200 : i32
      %scan3A_48 = arith.addi %scan3A_46, %scan3A_47 : i32
      %scan3A_49 = arith.constant 4 : i32
      %scan3A_50:4 = scf.for %scan3A_72 = %scan3A_46 to %scan3A_48 step %scan3A_49 iter_args(%scan3A_73 = %broadcast_in_dim3A_45, %scan3A_74 = %broadcast_in_dim3A_45, %scan3A_75 = %broadcast_in_dim3A_45, %scan3A_76 = %broadcast_in_dim3A_45) -> (vector<16xf32>, vector<16xf32>, vector<16xf32>, vector<16xf32>)  : i32 {
        %get3A = arith.index_cast %scan3A_72 : i32 to index
        %get3A_77 = arith.constant 0 : index
        %get3A_78 = tpu.vector_load %arg6[%get3A, %get3A_77] {strides = array<i32>} : memref<200x64xf32, #tpu.memory_space<vmem>>, vector<1x16xf32>,
        %get3A_79 = vector.shape_cast %get3A_78 : vector<1x16xf32> to vector<16xf32>
        %add3A_80 = arith.addf %scan3A_73, %get3A_79 : vector<16xf32>
        %get3A_81 = arith.index_cast %scan3A_72 : i32 to index
        %get3A_82 = arith.constant 16 : index
        %get3A_83 = tpu.vector_load %arg6[%get3A_81, %get3A_82] {strides = array<i32>} : memref<200x64xf32, #tpu.memory_space<vmem>>, vector<1x16xf32>,
        %get3A_84 = vector.shape_cast %get3A_83 : vector<1x16xf32> to vector<16xf32>
        %add3A_85 = arith.addf %scan3A_74, %get3A_84 : vector<16xf32>
        %get3A_86 = arith.index_cast %scan3A_72 : i32 to index
        %get3A_87 = arith.constant 32 : index
        %get3A_88 = tpu.vector_load %arg6[%get3A_86, %get3A_87] {strides = array<i32>} : memref<200x64xf32, #tpu.memory_space<vmem>>, vector<1x16xf32>,
        %get3A_89 = vector.shape_cast %get3A_88 : vector<1x16xf32> to vector<16xf32>
        %add3A_90 = arith.addf %scan3A_75, %get3A_89 : vector<16xf32>
        %get3A_91 = arith.index_cast %scan3A_72 : i32 to index
        %get3A_92 = arith.constant 48 : index
        %get3A_93 = tpu.vector_load %arg6[%get3A_91, %get3A_92] {strides = array<i32>} : memref<200x64xf32, #tpu.memory_space<vmem>>, vector<1x16xf32>,
        %get3A_94 = vector.shape_cast %get3A_93 : vector<1x16xf32> to vector<16xf32>
        %add3A_95 = arith.addf %scan3A_76, %get3A_94 : vector<16xf32>
        %scan3A_96 = arith.constant 1 : i32
        %scan3A_97 = arith.addi %scan3A_72, %scan3A_96 : i32
        %get3A_98 = arith.index_cast %scan3A_97 : i32 to index
        %get3A_99 = arith.constant 0 : index
        %get3A_100 = tpu.vector_load %arg6[%get3A_98, %get3A_99] {strides = array<i32>} : memref<200x64xf32, #tpu.memory_space<vmem>>, vector<1x16xf32>,
        %get3A_101 = vector.shape_cast %get3A_100 : vector<1x16xf32> to vector<16xf32>
        %add3A_102 = arith.addf %add3A_80, %get3A_101 : vector<16xf32>
        %get3A_103 = arith.index_cast %scan3A_97 : i32 to index
        %get3A_104 = arith.constant 16 : index
        %get3A_105 = tpu.vector_load %arg6[%get3A_103, %get3A_104] {strides = array<i32>} : memref<200x64xf32, #tpu.memory_space<vmem>>, vector<1x16xf32>,
        %get3A_106 = vector.shape_cast %get3A_105 : vector<1x16xf32> to vector<16xf32>
        %add3A_107 = arith.addf %add3A_85, %get3A_106 : vector<16xf32>
        %get3A_108 = arith.index_cast %scan3A_97 : i32 to index
        %get3A_109 = arith.constant 32 : index
        %get3A_110 = tpu.vector_load %arg6[%get3A_108, %get3A_109] {strides = array<i32>} : memref<200x64xf32, #tpu.memory_space<vmem>>, vector<1x16xf32>,
        %get3A_111 = vector.shape_cast %get3A_110 : vector<1x16xf32> to vector<16xf32>
        %add3A_112 = arith.addf %add3A_90, %get3A_111 : vector<16xf32>
        %get3A_113 = arith.index_cast %scan3A_97 : i32 to index
        %get3A_114 = arith.constant 48 : index
        %get3A_115 = tpu.vector_load %arg6[%get3A_113, %get3A_114] {strides = array<i32>} : memref<200x64xf32, #tpu.memory_space<vmem>>, vector<1x16xf32>,
        %get3A_116 = vector.shape_cast %get3A_115 : vector<1x16xf32> to vector<16xf32>
        %add3A_117 = arith.addf %add3A_95, %get3A_116 : vector<16xf32>
        %scan3A_118 = arith.constant 2 : i32
        %scan3A_119 = arith.addi %scan3A_72, %scan3A_118 : i32
        %get3A_120 = arith.index_cast %scan3A_119 : i32 to index
        %get3A_121 = arith.constant 0 : index
        %get3A_122 = tpu.vector_load %arg6[%get3A_120, %get3A_121] {strides = array<i32>} : memref<200x64xf32, #tpu.memory_space<vmem>>, vector<1x16xf32>,
        %get3A_123 = vector.shape_cast %get3A_122 : vector<1x16xf32> to vector<16xf32>
        %add3A_124 = arith.addf %add3A_102, %get3A_123 : vector<16xf32>
        %get3A_125 = arith.index_cast %scan3A_119 : i32 to index
        %get3A_126 = arith.constant 16 : index
        %get3A_127 = tpu.vector_load %arg6[%get3A_125, %get3A_126] {strides = array<i32>} : memref<200x64xf32, #tpu.memory_space<vmem>>, vector<1x16xf32>,
        %get3A_128 = vector.shape_cast %get3A_127 : vector<1x16xf32> to vector<16xf32>
        %add3A_129 = arith.addf %add3A_107, %get3A_128 : vector<16xf32>
        %get3A_130 = arith.index_cast %scan3A_119 : i32 to index
        %get3A_131 = arith.constant 32 : index
        %get3A_132 = tpu.vector_load %arg6[%get3A_130, %get3A_131] {strides = array<i32>} : memref<200x64xf32, #tpu.memory_space<vmem>>, vector<1x16xf32>,
        %get3A_133 = vector.shape_cast %get3A_132 : vector<1x16xf32> to vector<16xf32>
        %add3A_134 = arith.addf %add3A_112, %get3A_133 : vector<16xf32>
        %get3A_135 = arith.index_cast %scan3A_119 : i32 to index
        %get3A_136 = arith.constant 48 : index
        %get3A_137 = tpu.vector_load %arg6[%get3A_135, %get3A_136] {strides = array<i32>} : memref<200x64xf32, #tpu.memory_space<vmem>>, vector<1x16xf32>,
        %get3A_138 = vector.shape_cast %get3A_137 : vector<1x16xf32> to vector<16xf32>
        %add3A_139 = arith.addf %add3A_117, %get3A_138 : vector<16xf32>
        %scan3A_140 = arith.constant 3 : i32
        %scan3A_141 = arith.addi %scan3A_72, %scan3A_140 : i32
        %get3A_142 = arith.index_cast %scan3A_141 : i32 to index
        %get3A_143 = arith.constant 0 : index
        %get3A_144 = tpu.vector_load %arg6[%get3A_142, %get3A_143] {strides = array<i32>} : memref<200x64xf32, #tpu.memory_space<vmem>>, vector<1x16xf32>,
        %get3A_145 = vector.shape_cast %get3A_144 : vector<1x16xf32> to vector<16xf32>
        %add3A_146 = arith.addf %add3A_124, %get3A_145 : vector<16xf32>
        %get3A_147 = arith.index_cast %scan3A_141 : i32 to index
        %get3A_148 = arith.constant 16 : index
        %get3A_149 = tpu.vector_load %arg6[%get3A_147, %get3A_148] {strides = array<i32>} : memref<200x64xf32, #tpu.memory_space<vmem>>, vector<1x16xf32>,
        %get3A_150 = vector.shape_cast %get3A_149 : vector<1x16xf32> to vector<16xf32>
        %add3A_151 = arith.addf %add3A_129, %get3A_150 : vector<16xf32>
        %get3A_152 = arith.index_cast %scan3A_141 : i32 to index
        %get3A_153 = arith.constant 32 : index
        %get3A_154 = tpu.vector_load %arg6[%get3A_152, %get3A_153] {strides = array<i32>} : memref<200x64xf32, #tpu.memory_space<vmem>>, vector<1x16xf32>,
        %get3A_155 = vector.shape_cast %get3A_154 : vector<1x16xf32> to vector<16xf32>
        %add3A_156 = arith.addf %add3A_134, %get3A_155 : vector<16xf32>
        %get3A_157 = arith.index_cast %scan3A_141 : i32 to index
        %get3A_158 = arith.constant 48 : index
        %get3A_159 = tpu.vector_load %arg6[%get3A_157, %get3A_158] {strides = array<i32>} : memref<200x64xf32, #tpu.memory_space<vmem>>, vector<1x16xf32>,
        %get3A_160 = vector.shape_cast %get3A_159 : vector<1x16xf32> to vector<16xf32>
        %add3A_161 = arith.addf %add3A_139, %get3A_160 : vector<16xf32>
        scf.yield %add3A_146, %add3A_151, %add3A_156, %add3A_161 : vector<16xf32>, vector<16xf32>, vector<16xf32>, vector<16xf32>
      }
      %scan3A_51 = arith.constant 200 : i32
      %swap3A = arith.index_cast %scan3A_9 : i32 to index
      %swap3A_52 = arith.constant 0 : index
      %swap3A_53 = tpu.vector_load %arg7[%swap3A, %swap3A_52] {strides = array<i32>} : memref<128x64xf32, #tpu.memory_space<vmem>>, vector<1x16xf32>,
      %swap3A_54 = vector.shape_cast %swap3A_53 : vector<1x16xf32> to vector<16xf32>
      %swap3A_55 = vector.shape_cast %scan3A_50#0 : vector<16xf32> to vector<1x16xf32>
      tpu.vector_store %arg7[%swap3A, %swap3A_52], %swap3A_55 {strides = array<i32>} : memref<128x64xf32, #tpu.memory_space<vmem>>, vector<1x16xf32>,
      %swap3A_56 = arith.index_cast %scan3A_9 : i32 to index
      %swap3A_57 = arith.constant 16 : index
      %swap3A_58 = tpu.vector_load %arg7[%swap3A_56, %swap3A_57] {strides = array<i32>} : memref<128x64xf32, #tpu.memory_space<vmem>>, vector<1x16xf32>,
      %swap3A_59 = vector.shape_cast %swap3A_58 : vector<1x16xf32> to vector<16xf32>
      %swap3A_60 = vector.shape_cast %scan3A_50#1 : vector<16xf32> to vector<1x16xf32>
      tpu.vector_store %arg7[%swap3A_56, %swap3A_57], %swap3A_60 {strides = array<i32>} : memref<128x64xf32, #tpu.memory_space<vmem>>, vector<1x16xf32>,
      %swap3A_61 = arith.index_cast %scan3A_9 : i32 to index
      %swap3A_62 = arith.constant 32 : index
      %swap3A_63 = tpu.vector_load %arg7[%swap3A_61, %swap3A_62] {strides = array<i32>} : memref<128x64xf32, #tpu.memory_space<vmem>>, vector<1x16xf32>,
      %swap3A_64 = vector.shape_cast %swap3A_63 : vector<1x16xf32> to vector<16xf32>
      %swap3A_65 = vector.shape_cast %scan3A_50#2 : vector<16xf32> to vector<1x16xf32>
      tpu.vector_store %arg7[%swap3A_61, %swap3A_62], %swap3A_65 {strides = array<i32>} : memref<128x64xf32, #tpu.memory_space<vmem>>, vector<1x16xf32>,
      %swap3A_66 = arith.index_cast %scan3A_9 : i32 to index
      %swap3A_67 = arith.constant 48 : index
      %swap3A_68 = tpu.vector_load %arg7[%swap3A_66, %swap3A_67] {strides = array<i32>} : memref<128x64xf32, #tpu.memory_space<vmem>>, vector<1x16xf32>,
      %swap3A_69 = vector.shape_cast %swap3A_68 : vector<1x16xf32> to vector<16xf32>
      %swap3A_70 = vector.shape_cast %scan3A_50#3 : vector<16xf32> to vector<1x16xf32>
      tpu.vector_store %arg7[%swap3A_66, %swap3A_67], %swap3A_70 {strides = array<i32>} : memref<128x64xf32, #tpu.memory_space<vmem>>, vector<1x16xf32>,
      %scan3A_71 = arith.constant 0 : i32
      scf.yield %scan3A_71 : i32
    }
    %scan3A_8 = arith.constant 128 : i32
    "tpu.region"() ({
      %run_scoped3A = tpu.sem_alloc : memref<!tpu.dma_semaphore, #tpu.memory_space<semaphore_mem>>
      %dma_start3A = arith.constant 0 : i32
      %dma_start3A_9 = tpu.memref_slice %arg4[%mul3A_2, %dma_start3A] : memref<4096x64xf32, #tpu.memory_space<hbm>> -> memref<128x64xf32, #tpu.memory_space<hbm>>
      %dma_start3A_10 = arith.constant 0 : i32
      %dma_start3A_11 = tpu.memref_slice %arg4[%mul3A_2, %dma_start3A_10] : memref<4096x64xf32, #tpu.memory_space<hbm>> -> memref<128x64xf32, #tpu.memory_space<hbm>>
      tpu.enqueue_dma source(%arg7 : memref<128x64xf32, #tpu.memory_space<vmem>>) target(%dma_start3A_11 : memref<128x64xf32, #tpu.memory_space<hbm>>) target_semaphore(%run_scoped3A : memref<!tpu.dma_semaphore, #tpu.memory_space<semaphore_mem>>)
      %dma_wait3A = arith.constant 0 : i32
      %dma_wait3A_12 = tpu.memref_slice %arg4[%mul3A_2, %dma_wait3A] : memref<4096x64xf32, #tpu.memory_space<hbm>> -> memref<128x64xf32, #tpu.memory_space<hbm>>
      %dma_wait3A_13 = arith.constant 0 : i32
      %dma_wait3A_14 = tpu.memref_slice %arg4[%mul3A_2, %dma_wait3A_13] : memref<4096x64xf32, #tpu.memory_space<hbm>> -> memref<128x64xf32, #tpu.memory_space<hbm>>
      tpu.wait_dma2 semaphore(%run_scoped3A : memref<!tpu.dma_semaphore, #tpu.memory_space<semaphore_mem>>) src(%arg7 : memref<128x64xf32, #tpu.memory_space<vmem>>) dst(%dma_wait3A_14 : memref<128x64xf32, #tpu.memory_space<hbm>>)
      tpu.yield
    }) : () -> ()
    return
  }
}

module attributes {stable_mosaic.version = 14 : i64} {
  func.func @_classifier_body(%arg0: memref<4096x64xf32, #tpu.memory_space<vmem>>, %arg1: memref<2x64xf32, #tpu.memory_space<vmem>>, %arg2: memref<1x2xf32, #tpu.memory_space<vmem>>, %arg3: memref<4096x2xf32, #tpu.memory_space<vmem>>) attributes {dimension_semantics = [], scalar_prefetch = 0 : i64, scratch_operands = 0 : i64, tpu.core_type = #tpu.core_type<tc>} {
    %get3A = arith.constant 0 : index
    %get3A_0 = arith.constant 0 : index
    %get3A_1 = vector.load %arg0[%get3A, %get3A_0] : memref<4096x64xf32, #tpu.memory_space<vmem>>, vector<4096x64xf32>
    %mul3A = arith.constant 5.000000e-03 : f32
    %mul3A_2 = vector.broadcast %mul3A : f32 to vector<4096x64xf32>
    %mul3A_3 = arith.mulf %get3A_1, %mul3A_2 : vector<4096x64xf32>
    %get3A_4 = arith.constant 0 : index
    %get3A_5 = arith.constant 0 : index
    %get3A_6 = vector.load %arg1[%get3A_4, %get3A_5] : memref<2x64xf32, #tpu.memory_space<vmem>>, vector<2x64xf32>
    %dot_general3A = arith.constant dense<0.000000e+00> : vector<4096x2xf32>
    %dot_general3A_7 = tpu.matmul %mul3A_3, %get3A_6, %dot_general3A {dimension_numbers = #tpu.dot_dimension_numbers<[1], [1], [0], [0], [0, 0, 1, 0], [], []>, transpose_lhs_hint = false} : vector<4096x64xf32>, vector<2x64xf32>, vector<4096x2xf32> -> vector<4096x2xf32>
    %get3A_8 = arith.constant 0 : index
    %get3A_9 = arith.constant 0 : index
    %get3A_10 = vector.load %arg2[%get3A_8, %get3A_9] : memref<1x2xf32, #tpu.memory_space<vmem>>, vector<1x2xf32>
    %add3A = vector.broadcast %get3A_10 : vector<1x2xf32> to vector<4096x2xf32>
    %add3A_11 = arith.addf %dot_general3A_7, %add3A : vector<4096x2xf32>
    %reduce_max3A = arith.constant dense<0xFF800000> : vector<4096xf32>
    %reduce_max3A_12 = vector.multi_reduction <maximumf>, %add3A_11, %reduce_max3A [1] : vector<4096x2xf32> to vector<4096xf32>
    %broadcast_in_dim3A = vector.shape_cast %reduce_max3A_12 : vector<4096xf32> to vector<4096x1xf32>
    %sub3A = vector.broadcast %broadcast_in_dim3A : vector<4096x1xf32> to vector<4096x2xf32>
    %sub3A_13 = arith.subf %add3A_11, %sub3A : vector<4096x2xf32>
    %exp3A = math.exp %sub3A_13 : vector<4096x2xf32>
    %reduce_sum3A = arith.constant dense<0.000000e+00> : vector<4096xf32>
    %reduce_sum3A_14 = vector.multi_reduction <add>, %exp3A, %reduce_sum3A [1] : vector<4096x2xf32> to vector<4096xf32>
    %broadcast_in_dim3A_15 = vector.shape_cast %reduce_sum3A_14 : vector<4096xf32> to vector<4096x1xf32>
    %div3A = vector.broadcast %broadcast_in_dim3A_15 : vector<4096x1xf32> to vector<4096x2xf32>
    %div3A_16 = arith.divf %exp3A, %div3A : vector<4096x2xf32>
    %swap3A = arith.constant 0 : index
    %swap3A_17 = arith.constant 0 : index
    %swap3A_18 = vector.load %arg3[%swap3A, %swap3A_17] : memref<4096x2xf32, #tpu.memory_space<vmem>>, vector<4096x2xf32>
    tpu.vector_store %arg3[%swap3A, %swap3A_17], %div3A_16 {strides = array<i32>} : memref<4096x2xf32, #tpu.memory_space<vmem>>, vector<4096x2xf32>,
    return
  }
}

</mosaic_0001>

<sc_bundles>
// kernel: kernel.4.cloned.1.call-start
scs
__scs_entry_jumppad:
0x0: {  	(pc) =	sbr.rel $0x88, $3  }
0x1: {  	(tag) =	ssettag $0x0;
	lr =	simm.s32 $0x1  }
0x2: {  	[smem:$0x3F9D] =	sst lr;
	_ =	strace $0xD0000000  }
0x3: {  	_ = 	snop  }
0x4: {  	_ = 	snop  }
0x5: {  	_ = 	snop  }
0x6: {  	_ = 	snop  }
0x7: {  	_ = 	snop  }
__scs_overlays_trampoline_lowered:
0x8: {  	[smem:$0x3FAC] =	sst s0  }
0x9: {  	[smem:$0x3FAD] =	sst s1  }
0xa: {  	[smem:$0x3FAE] =	sst s2  }
0xb: {  	[smem:$0x3FAF] =	sst s3  }
0xc: {  	[smem:$0x3FB0] =	sst s4  }
0xd: {  	[smem:$0x3FB1] =	sst s5  }
0xe: {  	[smem:$0x3FB2] =	sst s6  }
0xf: {  	[smem:$0x3FB3] =	sst s7  }
0x10: {  	[smem:$0x3FB4] =	sst s8  }
0x11: {  	[smem:$0x3FB5] =	sst s9;
	s0 =	simm.s32 @!p0 $0x0  }
0x12: {  	s1 =	sld [smem:$0x3F9B];
	s0 =	simm.s32 @p0 $0x1  }
0x13: {  	[smem:$0x3FB6] =	sst s0;
	s0 =	simm.s32 @!p1 $0x0  }
0x14: {  	s2 =	sld [smem:$0x3F9A];
	s0 =	simm.s32 @p1 $0x1  }
0x15: {  	[smem:$0x3FB7] =	sst s0;
	s0 =	simm.s32 @!p2 $0x0  }
0x16: {  	s3 =	sld [smem:$0x3FDB];
	s0 =	simm.s32 @p2 $0x1  }
0x17: {  	s4 =	simm.s32 $0x1BF5;
	[smem:$0x3FB9] =	sst s0  }
0x18: {  	s0 =	sld [smem:$0x3F9C];
	_ =	swait.ge [sflag:s4], $0x0  }
0x19: {  	s7 =	sld [smem:$0x3F9D]  }
0x1a: {  	s8 =	sadd.s32 $0xFFFFE003, lr  }
0x1b: {  	s9 =	sadd.s32 $0xFFFFFEF7, lr;
	s5 =	simm.s32 $0xFFFFFFFF;
	p2 =	slt.u32 s8, $0xFFFFF086  }
0x1c: {  	p1 =	slt.u32 s9, $0xF7A;
	s5 =	simm.s32 @!p2 $0x0  }
0x1d: {  	s5 =	simm.s32 @p1 $0x1;
	p0 =	seq.s32 s7, s2  }
0x1e: {  	s7 =	smul.u32 @!p0 $0xF7A, s2;
	p2 =	seq.s32 @!p0 s5, $0x0  }
0x1f: {  	s9 =	smul.u32 $0xF7A, s1;
	s8 =	simm.s32 @!p0 $0x1BF5;
	p2 =	por !p2, p0  }
0x20: {  	[sflag:s8] =	ssyncset.s32 @!p0 $0xFFFFF086;
	s6 =	sadd.s32 @!p0 s3, s7;
	s7 =	simm.s32 @!p0 $0x108  }
0x21: {  	s3 =	sadd.s32 s3, s9;
	s6 =	sadd.s32 @!p0 $0x88, s6;
	s7 =	simm.s32 @p2 $0x1082  }
0x22: {  	[simem:s7], [sflag:s8] =	dma.local @!p0 [hbm:s6], $0xF7A  }
0x23: {  	s9 =	sor.u32 $0xD0000000, s2;
	s6 =	simm.s32 $0x108;
	_ =	swait.ge @!p0 [sflag:s8], $0x0  }
0x24: {  	s3 =	sadd.s32 $0x88, s3;
	s6 =	simm.s32 @!p1 $0x1082;
	[sflag:s4] =	ssyncset.s32 $0xFFFFF086  }
0x25: {  	[simem:s6], [sflag:s4] =	dma.local [hbm:s3], $0xF7A  }
0x26: {  	[smem:$0x3F9D] =	sst s1;
	(tag) =	ssettag s2;
	_ =	strace s9  }
0x27: {  	s1 =	sld [smem:$0x3FAD]  }
0x28: {  	s2 =	sld [smem:$0x3FAE]  }
0x29: {  	s4 =	sld [smem:$0x3FB0]  }
0x2a: {  	p0 =	seq.s32 s5, $0x0;
	s5 =	sld [smem:$0x3FB1]  }
0x2b: {  	s6 =	sld [smem:$0x3FB2]  }
0x2c: {  	s7 =	sld [smem:$0x3FB3]  }
0x2d: {  	s3 =	simm.s32 $0x108;
	s8 =	sld [smem:$0x3FB4]  }
0x2e: {  	s3 =	simm.s32 @!p0 $0x1082;
	s9 =	sld [smem:$0x3FB5]  }
0x2f: {  	lr =	sadd.s32 s0, s3;
	s0 =	sld [smem:$0x3FAC]  }
0x30: {  	s3 =	sld [smem:$0x3FAF]  }
0x31: {  	[smem:$0x3FB8] =	sst s10  }
0x32: {  	s10 =	sld [smem:$0x3FB6];
	_ =	sdelay $0x3  }
0x33: {  	p0 =	seq.s32 s10, $0x1;
	s10 =	sld [smem:$0x3FB8];
	_ =	sdelay $0x3  }
0x34: {  	[smem:$0x3FB8] =	sst s10  }
0x35: {  	s10 =	sld [smem:$0x3FB7];
	_ =	sdelay $0x3  }
0x36: {  	p1 =	seq.s32 s10, $0x1;
	s10 =	sld [smem:$0x3FB8];
	_ =	sdelay $0x3  }
0x37: {  	[smem:$0x3FB8] =	sst s10  }
0x38: {  	s10 =	sld [smem:$0x3FB9]  }
0x39: {  	_ = 	snop;
	(pc) =	sbr.ind lr, $3  }
0x3a: {  	_ = 	snop  }
0x3b: {  	_ = 	snop  }
0x3c: {  	p2 =	seq.s32 s10, $0x1;
	s10 =	sld [smem:$0x3FB8]  }
0x3d: {  	_ =	shalt  }
0x3e: {  	_ =	shalt  }
0x3f: {  	_ =	shalt  }
0x40: {  	_ =	shalt  }
0x41: {  	_ =	shalt  }
0x42: {  	_ =	shalt  }
0x43: {  	_ =	shalt  }
0x44: {  	_ =	shalt  }
0x45: {  	_ =	shalt  }
0x46: {  	_ =	shalt  }
0x47: {  	_ =	shalt  }
0x48: {  	_ =	shalt  }
0x49: {  	_ =	shalt  }
0x4a: {  	_ =	shalt  }
0x4b: {  	_ =	shalt  }
0x4c: {  	_ =	shalt  }
0x4d: {  	_ =	shalt  }
0x4e: {  	_ =	shalt  }
0x4f: {  	_ =	shalt  }
0x50: {  	_ =	shalt  }
0x51: {  	_ =	shalt  }
0x52: {  	_ =	shalt  }
0x53: {  	_ =	shalt  }
0x54: {  	_ =	shalt  }
0x55: {  	_ =	shalt  }
0x56: {  	_ =	shalt  }
0x57: {  	_ =	shalt  }
0x58: {  	_ =	shalt  }
0x59: {  	_ =	shalt  }
0x5a: {  	_ =	shalt  }
0x5b: {  	_ =	shalt  }
0x5c: {  	_ =	shalt  }
0x5d: {  	_ =	shalt  }
0x5e: {  	_ =	shalt  }
0x5f: {  	_ =	shalt  }
0x60: {  	_ =	shalt  }
0x61: {  	_ =	shalt  }
0x62: {  	_ =	shalt  }
0x63: {  	_ =	shalt  }
0x64: {  	_ =	shalt  }
0x65: {  	_ =	shalt  }
0x66: {  	_ =	shalt  }
0x67: {  	_ =	shalt  }
0x68: {  	_ =	shalt  }
0x69: {  	_ =	shalt  }
0x6a: {  	_ =	shalt  }
0x6b: {  	_ =	shalt  }
0x6c: {  	_ =	shalt  }
0x6d: {  	_ =	shalt  }
0x6e: {  	_ =	shalt  }
0x6f: {  	_ =	shalt  }
0x70: {  	_ =	shalt  }
0x71: {  	_ =	shalt  }
0x72: {  	_ =	shalt  }
0x73: {  	_ =	shalt  }
0x74: {  	_ =	shalt  }
0x75: {  	_ =	shalt  }
0x76: {  	_ =	shalt  }
0x77: {  	_ =	shalt  }
0x78: {  	_ =	shalt  }
0x79: {  	_ =	shalt  }
0x7a: {  	_ =	shalt  }
0x7b: {  	_ =	shalt  }
0x7c: {  	_ =	shalt  }
0x7d: {  	_ =	shalt  }
0x7e: {  	_ =	shalt  }
0x7f: {  	_ =	shalt  }
0x80: {  	_ =	shalt  }
0x81: {  	_ =	shalt  }
0x82: {  	_ =	shalt  }
0x83: {  	_ =	shalt  }
0x84: {  	_ =	shalt  }
0x85: {  	_ =	shalt  }
0x86: {  	_ =	shalt  }
0x87: {  	_ =	shalt  }
.Lfunc_end0:
.L_simem_size_0:
called_computation_lowered:
.L_overlay_start_0:
0x88: {  	s2 =	sld [smem:$0x3FD9]  }
0x89: {  	s3 =	sld [smem:$0x3FFE];
	_ =	sdelay $0x1  }
0x8a: {  	s1 =	srdreg.scid  }
0x8b: {  	s0 =	sand.u32 $0x1, s1  }
0x8c: {  	s16 =	sshll.u32 s0, $0xA;
	s2 =	sadd.s32 s3, s2  }
0x8d: {  	s2 =	sadd.s32 s2, s16  }
0x8e: {  	[smem:$0x3FC4] =	sst s2  }
0x8f: {  	_ = 	snop  }
0x90: {  	(tm) =	ssettm $0x1  }
0x91: {  	s17 =	sld [smem:$0x3FFB];
	_ =	sdelay $0x3  }
0x92: {  	_ =	strace s17  }
0x93: {  	s2 =	sld [smem:$0x3FFC];
	_ =	sdelay $0x3  }
0x94: {  	_ =	strace s2  }
0x95: {  	s2 =	sld [smem:$0x3FFD];
	_ =	sdelay $0x3  }
0x96: {  	_ =	strace s2  }
0x97: {  	_ =	strace $0x8FFFFFFF  }
0x98: {  	s18 =	sld [smem:$0x3FDB];
	_ =	sdelay $0x1  }
0x99: {  	s19 =	simm.s32 $_scs_section_size  }
0x9a: {  	s4 =	simm.s32 $_size__tile_overlayer_lowered;
	s5 =	simm.s32 $_tile_overlayer_lowered  }
0x9b: {  	s22 =	simm.s32 $0x1BFF;
	s21 =	sshll.u32 s5, $0x1;
	s2 =	sadd.s32 s19, s18  }
0x9c: {  	s6 =	simm.s32 $0x0;
	s20 =	sshll.u32 s4, $0x1;
	s4 =	sadd.s32 s21, s2  }
0x9d: {  	[timem:s6], [sflag:s22] =	dma.local [hbm:s4], s20  }
0x9e: {  	_ =	swait.ge [sflag:s22], s20  }
0x9f: {  	s3 =	ssub.s32 $0x0, s20;
	[sflag:s22] =	ssyncset.done $0x0  }
0xa0: {  	[sflag:s22] =	ssyncadd.s32 s3;
	_ =	sdelay $0x1  }
0xa1: {  	s23 =	simm.s32 $0x1B8B  }
0xa2: {  	_ =	swait.ge [sflag:s23], $0x1  }
0xa3: {  	[sflag:s23] =	ssyncset.done $0x0  }
0xa4: {  	s25 =	simm.s32 $0x1B8E;
	s24 =	sld [smem:$0x3FFE];
	[sflag:s23] =	ssyncadd.s32 $0xFFFFFFFF  }
0xa5: {  	s26 =	simm.s32 $execute0_lowered;
	[smem:$0x3FD2] =	sst s25  }
0xa6: {  	s4 =	sshll.u32 s26, $0x1;
	_ =	strace $0x80000046;
	[dreg:$0x1] =	wrdreg $0xFFFFFFFF  }
0xa7: {  	s28 =	simm.s32 $_size_execute0_lowered;
	s2 =	sadd.s32 s2, s4;
	[dreg:$0x0] =	wrdreg $0x0  }
0xa8: {  	s4 =	sshll.u32 s28, $0x1;
	[dreg:$0x2] =	wrdreg s2  }
0xa9: {  	[dreg:$0x3] =	wrdreg s4  }
0xaa: {  	[dreg:$0x4] =	wrdreg $0xC0  }
0xab: {  	_ =	task [dreg:s6], $0x5FFFF  }
0xac: {  	[dreg:$0x1] =	wrdreg $0xFFFFFFFF  }
0xad: {  	[dreg:$0x0] =	wrdreg $0x60  }
0xae: {  	[dreg:$0x2] =	wrdreg s24  }
0xaf: {  	[dreg:$0x3] =	wrdreg $0x9  }
0xb0: {  	_ =	task.clear_ibuf [dreg:s6], $0x4FFFF;
	_ =	strace $0x90000046  }
0xb1: {  	s29 =	simm.s32 $0x9;
	_ =	strace $0x80000048  }
0xb2: {  	_ =	swait.ge [sflag:s29], $0x1  }
0xb3: {  	[sflag:s29] =	ssyncadd.s32 $0xFFFFFFFF  }
0xb4: {  	_ =	strace $0x90000048  }
0xb5: {  	_ =	sfence  }
0xb6: {  	s30 =	sld [smem:$0x0];
	_ =	sdelay $0x2  }
0xb7: {  	s31 =	sshll.u32 s1, $0xD;
	s1 =	sshrl.u32 s1, $0x2  }
0xb8: {  	s3 =	sand.u32 $0x4000, s31;
	s1 =	sadd.s32 s1, s30  }
0xb9: {  	s0 =	sor.u32 s3, s0;
	s1 =	sshll.u32 s1, $0x11  }
0xba: {  	s0 =	sor.u32 s1, s0  }
0xbb: {  	s0 =	sadd.s32 $0x8F2B, s0  }
0xbc: {  	[sflag:s0] =	ssyncadd.remote.s32 $0x1  }
0xbd: {  	_ =	sfence.sel $0xFFFF  }
0xbe: {  	[dreg:$0x0] =	wrdreg $0xFFFFFFFF;
	(pc) =	sbr.abs _section_cstart, $3  }
0xbf: {  	[dreg:$0x1] =	wrdreg $0xFFFFFFFF  }
0xc0: {  	_ =	task.clear_ibuf [dreg:s6], $0x2FFFF;
	_ =	strace $0x9FFFFFFF  }
0xc1: {  	(tm) =	ssettm $0x7FFFFFFF  }
tec
execute0_lowered:
.L_overlay_start_1:
0x0: {  	(tag) =	ssettag $0x1  }
0x1: {  	s1 =	srdreg.scid  }
0x2: {  	s0 =	stileid.u32;
	s4 =	rddreg [dreg:$0x0]  }
0x3: {  	s2 =	simm.s32 $0x0;
	s8 =	simm.s32 $0x80;
	s9 =	simm.s32 $0x6400  }
0x4: {  	s10 =	simm.s32 $0x48;
	s11 =	simm.s32 $0x8400;
	s12 =	simm.s32 $0x1  }
0x5: {  	s13 =	simm.s32 $0x9600;
	s14 =	simm.s32 $0x0;
	s3 =	sand.u32 $0x1, s1  }
0x6: {  	s5 =	sshll.u32 s0, $0x8;
	[smem:$0x7FF] =	sst s2;
	s6 =	sshll.u32 s3, $0x7  }
0x7: {  	s1 =	rddreg [dreg:$0x1];
	_ =	strace $0x80000047;
	s5 =	sor.u32 s6, s5  }
0x8: {  	s7 =	ssub.s32 $0x2, s3;
	s6 =	smul.u32 $0x19, s5;
	s5 =	sshll.u32 s5, $0x3  }
0x9: {  	s3 =	sadd.s32 $0xF42E00, s4;
	s31 =	sshrl.u32 s7, $0x1;
	s5 =	sadd.s32 s5, s4  }
0xa: {  	s7 =	ssub.s32 s7, s31;
	s6 =	sadd.s32 s6, s4;
	s5 =	sadd.s32 $0x19A00, s5  }
0xb: {  	s4 =	sadd.s32 $0xA00, s6;
	s6 =	smax.u32 s7, $0x1;
	s7 =	simm.s32 $0x2  }
.LBB2_1:
0xc: {  	[tilespmem:s2], [sflag:$0x2] =	stream.linear.gather [hbm4b:s4+s2], $0x6400, $0x38;
	[tilespmem:$0xB600] =	vst v63  }
0xd: {  	_ =	swait.ge [sflag:s7], $0x6400  }
0xe: {  	[sflag:s7] =	ssyncset.done $0x0  }
0xf: {  	s15 =	simm.s32 $0x0;
	[sflag:s7] =	ssyncadd.s32 $0xFFFF9C00  }
.LBB2_2:
0x10: {  	s16 =	smul.u32 $0x320, s15;
	_ =	sdelay $0x1  }
0x11: {  	s16 =	sshra.s32 s16, $0x2  }
0x12: {  	[tilespmem:s9], [sflag:$0x1] =	stream.indirect.gather [hbm4b:s3+s8], $0x40, s16, s8, $0xb8;
	[tilespmem:$0xB600] =	vst v63  }
0x13: {  	s16 =	sadd.s32 $0x80, s16  }
0x14: {  	[tilespmem:s11], [sflag:$0x1] =	stream.indirect.gather [hbm4b:s3+s10], $0x40, s16, s10, $0xb8;
	[tilespmem:$0xB600] =	vst v63  }
0x15: {  	_ =	swait.ge [sflag:s12], $0x2000  }
0x16: {  	[sflag:s12] =	ssyncset.done $0x0  }
0x17: {  	[sflag:s12] =	ssyncadd.s32 $0xFFFFE000  }
0x18: {  	_ =	swait.ge [sflag:s12], $0x1200  }
0x19: {  	[sflag:s12] =	ssyncset.done $0x0  }
0x1a: {  	s17 =	simm.s32 $0x6480;
	[sflag:s12] =	ssyncadd.s32 $0xFFFFEE00  }
0x1b: {  	v0 =	vld [tilespmem:s17+$0x40]  }
0x1c: {  	v1 =	vld [tilespmem:s17+$0x50]  }
0x1d: {  	v2 =	vld [tilespmem:s17+$0x0]  }
0x1e: {  	v3 =	vld [tilespmem:s17+$0x10]  }
0x1f: {  	v9 =	vld [tilespmem:s17+$0xFFFFFFC0]  }
0x20: {  	v12 =	vld [tilespmem:s17+$0xFFFFFFD0]  }
0x21: {  	v5 =	vld [tilespmem:s17+$0xFFFFFF80]  }
0x22: {  	v6 =	vld [tilespmem:s17+$0xFFFFFF90]  }
0x23: {  	v10 =	vld [tilespmem:s17+$0xFFFFFFA0]  }
0x24: {  	v13 =	vld [tilespmem:s17+$0xFFFFFFB0]  }
0x25: {  	v7 =	vld [tilespmem:s17+$0xFFFFFFE0]  }
0x26: {  	v8 =	vld [tilespmem:s17+$0xFFFFFFF0]  }
0x27: {  	v14 =	vimm.f32 $0.0e+00;
	v4 =	vld [tilespmem:s17+$0x20]  }
0x28: {  	v15 =	vadd.f32 v5, v14;
	v16 =	vadd.f32 v6, v14;
	v6 =	vld [tilespmem:s17+$0x30]  }
0x29: {  	v11 =	vadd.f32 v10, v14;
	v10 =	vadd.f32 v13, v14;
	v5 =	vld [tilespmem:s17+$0x60]  }
0x2a: {  	s16 =	simm.s32 $0x0;
	v13 =	vadd.f32 v9, v15;
	v12 =	vadd.f32 v12, v16;
	v9 =	vld [tilespmem:s17+$0x70];
	s17 =	simm.s32 $0x6580  }
.LBB2_3:
0x2b: {  	v14 =	vld [tilespmem:s17+$0x40];
	v7 =	vadd.f32 v7, v11;
	v8 =	vadd.f32 v8, v10  }
0x2c: {  	v10 =	vld [tilespmem:s17+$0x50];
	v11 =	vadd.f32 v2, v13;
	v12 =	vadd.f32 v3, v12  }
0x2d: {  	v2 =	vld [tilespmem:s17+$0x0];
	v4 =	vadd.f32 v4, v7;
	v6 =	vadd.f32 v6, v8  }
0x2e: {  	v3 =	vld [tilespmem:s17+$0x10];
	v11 =	vadd.f32 v0, v11;
	v12 =	vadd.f32 v1, v12  }
0x2f: {  	v13 =	vld [tilespmem:s17+$0xFFFFFFC0];
	v5 =	vadd.f32 v5, v4;
	v9 =	vadd.f32 v9, v6  }
0x30: {  	v15 =	vld [tilespmem:s17+$0xFFFFFFD0];
	v0 =	vmov v14  }
0x31: {  	v6 =	vld [tilespmem:s17+$0xFFFFFF80];
	v1 =	vmov v10  }
0x32: {  	v10 =	vld [tilespmem:s17+$0xFFFFFF90]  }
0x33: {  	v14 =	vld [tilespmem:s17+$0xFFFFFFA0]  }
0x34: {  	s16 =	sadd.s32 $0x4, s16;
	v16 =	vld [tilespmem:s17+$0xFFFFFFB0]  }
0x35: {  	p0 =	slt.u32 s16, $0xC4;
	v7 =	vld [tilespmem:s17+$0xFFFFFFE0]  }
.Ltmp0:
0x36: {  	v8 =	vld [tilespmem:s17+$0xFFFFFFF0];
	(pc) =	sbr.rel @p0 .LBB2_3-.Ltmp0, $4  }
0x37: {  	v4 =	vld [tilespmem:s17+$0x20]  }
0x38: {  	v17 =	vadd.f32 v6, v11;
	v12 =	vadd.f32 v10, v12;
	v6 =	vld [tilespmem:s17+$0x30]  }
0x39: {  	v11 =	vadd.f32 v14, v5;
	v10 =	vadd.f32 v16, v9;
	v5 =	vld [tilespmem:s17+$0x60]  }
0x3a: {  	v13 =	vadd.f32 v13, v17;
	v12 =	vadd.f32 v15, v12;
	v9 =	vld [tilespmem:s17+$0x70];
	s17 =	sadd.s32 $0x100, s17  }
0x3b: {  	_ = 	snop  }
0x3c: {  	v7 =	vadd.f32 v7, v11;
	v2 =	vadd.f32 v2, v13  }
0x3d: {  	v8 =	vadd.f32 v8, v10;
	s16 =	sshll.u32 s15, $0x6;
	s15 =	sadd.s32 $0x1, s15;
	v3 =	vadd.f32 v3, v12  }
0x3e: {  	p0 =	sne.s32 s15, $0x80;
	v4 =	vadd.f32 v4, v7;
	v0 =	vadd.f32 v0, v2  }
.Ltmp1:
0x3f: {  	s16 =	sand.u32 $0x3FFFFFC0, s16;
	v61 =	vadd.f32 v6, v8;
	v1 =	vadd.f32 v1, v3;
	(pc) =	sbr.rel @p0 .LBB2_2-.Ltmp1, $4  }
0x40: {  	v62 =	vadd.f32 v5, v4;
	[tilespmem:s16+$0x9600] =	vst v0  }
0x41: {  	v63 =	vadd.f32 v9, v61;
	[tilespmem:s16+$0x9610] =	vst v1  }
0x42: {  	[tilespmem:s16+$0x9620] =	vst v62  }
0x43: {  	[tilespmem:s16+$0x9630] =	vst v63  }
0x44: {  	s14 =	sadd.s32 $0x1, s14  }
0x45: {  	p0 =	sne.s32 s14, s6  }
.Ltmp2:
0x46: {  	_ = 	snop;
	(pc) =	sbr.rel @p0 .LBB2_1-.Ltmp2, $4  }
0x47: {  	[hbm4b:s5+s2] =	stream.linear.scatter [tilespmem:s13], [sflag:$0x2], $0x2000, $0x38;
	[tilespmem:$0xB600] =	vst v63  }
0x48: {  	_ =	swait.ge [sflag:s7], $0x2000  }
0x49: {  	[sflag:s7] =	ssyncset.done $0x0  }
0x4a: {  	[sflag:s7] =	ssyncadd.s32 $0xFFFFE000  }
0x4b: {  	_ =	sfence.sel $0x180000  }
0x4c: {  	[bflag:$0x0] =	sbarrier.arrive $0xFFFF  }
0x4d: {  	p0 =	sne.s32 s0, $0x0;
	_ =	strace $0x90000047  }
0x4e: {  	s0 =	sadd.s32 @!p0 $0x100000, s1;
	[bflag:$0x2] =	sbarrier.arrive $0xFFFF  }
0x4f: {  	[sflag:s0] =	ssyncadd.tile.s32 @!p0 $0x1;
	_ =	shalt  }
.Lfunc_end2:
_tile_overlayer_lowered:
.L_overlay_start_2:
0x50: {  	(tag) =	ssettag $0x2  }
0x51: {  	s0 =	rddreg [dreg:$0x0];
	s2 =	stileid.u32  }
0x52: {  	s1 =	rddreg [dreg:$0x1];
	p0 =	sne.s32 s2, $0x0  }
0x53: {  	s3 =	rddreg [dreg:$0x2];
	[bflag:$0x3] =	sbarrier.arrive $0xFFFF;
	s2 =	simm.s32 @!p0 $0x1C02  }
0x54: {  	[timem:s3], [sflag:s2] =	dma.local @!p0 [hbm:s0], s1  }
0x55: {  	s0 =	simm.s32 @!p0 $0x2  }
0x56: {  	_ =	swait.ge @!p0 [sflag:s0], s1  }
0x57: {  	s1 =	ssub.s32 @!p0 $0x0, s1;
	[sflag:s0] =	ssyncset.done @!p0 $0x0  }
0x58: {  	[sflag:s0] =	ssyncadd.s32 @!p0 s1  }
0x59: {  	[bflag:$0x3] =	sbarrier.arrive $0xFFFF  }
0x5a: {  	_ =	shalt  }

</sc_bundles>
